<compile_context>
chip_gen: v7x
topology: tpu7x:2x2x1
jax: 0.10.2.dev20260603
libtpu: 0.0.44.dev20260713+nightly
codegen_flags: <defaults>
</compile_context>

<pallas_src>
import functools

import jax
import jax.numpy as jnp
from jax import lax
from jax.experimental import pallas as pl
from jax.experimental.pallas import tpu as pltpu
from jax.experimental.pallas import tpu_sc as plsc

_NC, _NS = 1, 16
_NW = _NC * _NS
_B = 2
_HW = 256
_Q = _B * _HW
_D = 256
_N = 512
_QPW = _Q // _NW


_TAU = 4e-3


def _tc_scores_body(x_ref, w_ref, amin_ref, wt_ref):
    w = w_ref[...]
    e2 = jnp.sum(w * w, axis=0, keepdims=True)
    for b in range(_B):
        xb = x_ref[b]
        s = lax.dot_general(
            xb, w, (((0,), (0,)), ((), ())),
            preferred_element_type=jnp.float32,
            precision=lax.Precision.HIGHEST)
        score = e2 - 2.0 * s
        ii = lax.broadcasted_iota(jnp.int32, score.shape, 1)
        mn1 = jnp.min(score, axis=1, keepdims=True)
        i1 = jnp.min(jnp.where(score <= mn1, ii, _N), axis=1)
        masked = jnp.where(ii == i1[:, None], jnp.inf, score)
        mn2 = jnp.min(masked, axis=1, keepdims=True)
        i2 = jnp.min(jnp.where(masked <= mn2, ii, _N), axis=1)
        i12 = jnp.concatenate([i1, i2])
        ohT = (lax.broadcasted_iota(jnp.int32, (_N, 2 * _HW), 0)
               == i12[None, :]).astype(jnp.float32)
        e12 = lax.dot_general(
            w, ohT, (((1,), (0,)), ((), ())),
            preferred_element_type=jnp.float32,
            precision=lax.Precision.HIGHEST)
        diff = jnp.concatenate([xb, xb], axis=1) - e12
        sq = diff * diff
        acc8 = sq[0:8]
        for k in range(1, _D // 8):
            acc8 = acc8 + sq[8 * k:8 * k + 8]
        acc = acc8[0]
        for s in range(1, 8):
            acc = acc + acc8[s]
        r = jnp.sqrt(acc)
        r1, r2 = r[:_HW], r[_HW:]
        use2 = jnp.logical_or(r2 < r1,
                              jnp.logical_and(r2 == r1, i2 < i1))
        refined = jnp.where(use2, i2, i1)
        near = (jnp.min(masked, axis=1) - jnp.min(score, axis=1)) < _TAU
        amin_ref[b, :] = jnp.where(near, refined, i1)
    wt_ref[...] = w.T


_tc_scores = pl.pallas_call(
    _tc_scores_body,
    out_shape=(
        jax.ShapeDtypeStruct((_B, _HW), jnp.int32),
        jax.ShapeDtypeStruct((_N, _D), jnp.float32),
    ),
)


def _sc_gather_body(wt_hbm, idx_hbm, out_hbm, idx_v, rows_v, sem):
    wid = lax.axis_index("s") * _NC + lax.axis_index("c")
    base = wid * _QPW
    pltpu.sync_copy(idx_hbm.at[pl.ds(base, _QPW)], idx_v)
    pltpu.async_copy(wt_hbm.at[idx_v], rows_v, sem).wait()
    pltpu.sync_copy(rows_v, out_hbm.at[pl.ds(base, _QPW)])


@functools.cache
def _sc_gather():
    return functools.partial(
        pl.kernel,
        out_type=jax.ShapeDtypeStruct((_Q, _D), jnp.float32),
        mesh=plsc.VectorSubcoreMesh(
            core_axis_name="c", subcore_axis_name="s",
            num_cores=_NC, num_subcores=_NS),
        scratch_types=[
            pltpu.VMEM((_QPW,), jnp.int32),
            pltpu.VMEM((_QPW, _D), jnp.float32),
            pltpu.SemaphoreType.DMA,
        ],
    )(_sc_gather_body)


def kernel(x, weight):
    B, D, H, W = x.shape
    x3 = x.reshape(B, D, H * W)
    amin2, wt = _tc_scores(x3, weight)
    rows = _sc_gather()(wt, amin2.reshape(-1))
    result = rows.reshape(B, H, W, D).transpose(0, 3, 1, 2)
    return result, amin2.reshape(B, H, W)

# --- scband reference (transcript-rebuilt; emitter-appended) ---
"""Pipeline reference for scband-nearest-embed-ema-24352464568746 (READ-ONLY COPY).

The authoritative reference and input builder live on the scoring server;
editing this copy changes nothing except your own understanding.
"""

import jax, jax.numpy as jnp
import numpy as np


def setup_inputs(seed: int = 0) -> dict:
    key = jax.random.key(seed)
    k1, k2 = jax.random.split(key)
    x = jax.random.normal(k1, (2, 256, 16, 16), dtype=jnp.float32)
    # buffer 'weight' is initialized with torch.rand(emb_dim, n_emb) -> uniform [0,1)
    weight = jax.random.uniform(k2, (256, 512), dtype=jnp.float32)
    return {"x": x, "weight": weight}


def reference(x, weight):
    # Eval-mode forward of NearestEmbedEMA (EMA buffer updates only occur in training).
    emb_dim, n_emb = weight.shape
    B = x.shape[0]
    # x: (B, emb_dim, H, W) -> x_expanded: (B, emb_dim, H, W, 1)
    x_expanded = x[..., None]
    # emb_expanded: (emb_dim, 1, 1, n_emb), broadcast against x_expanded
    emb_expanded = weight.reshape(emb_dim, 1, 1, n_emb)
    # torch.norm(x_expanded - emb_expanded, 2, 1) -> L2 norm over channel dim 1
    diff = x_expanded - emb_expanded
    dist = jnp.sqrt(jnp.sum(diff * diff, axis=1))  # (B, H, W, n_emb)
    argmin = jnp.argmin(dist, axis=-1)  # (B, H, W)
    shifted_shape = (B, x.shape[2], x.shape[3], emb_dim)
    # weight.t().index_select(0, argmin.view(-1)).view(shifted_shape)
    result = jnp.take(weight.T, argmin.reshape(-1), axis=0).reshape(shifted_shape)
    # permute(0, 3, 1, 2) -> (B, emb_dim, H, W)
    result = jnp.transpose(result, (0, 3, 1, 2))
    return result, argmin

if __name__ == "__main__":
    import jax
    _d = setup_inputs()
    print(jax.jit(kernel)(*tuple(_d.values())))

</pallas_src>

<mosaic_0001>
#map = affine_map<(d0, d1) -> (0, 0)>
#map1 = affine_map<(d0, d1) -> (0)>
module attributes {stable_mosaic.version = 14 : i64} {
  func.func @_sc_gather_body(%arg0: i32, %arg1: i32, %arg2: memref<512x256xf32, #tpu.memory_space<hbm>>, %arg3: memref<512xi32, #tpu.memory_space<hbm>>, %arg4: memref<512x256xf32, #tpu.memory_space<hbm>>, %arg5: memref<32xi32, #tpu.memory_space<vmem>>, %arg6: memref<32x256xf32, #tpu.memory_space<vmem>>, %arg7: memref<!tpu.dma_semaphore, #tpu.memory_space<semaphore_mem>>) attributes {dimension_semantics = [#tpu.dimension_semantics<core_parallel>, #tpu.dimension_semantics<subcore_parallel>], iteration_bounds = array<i64: 1, 16>, scalar_prefetch = 0 : i64, scratch_operands = 3 : i64, tpu.core_type = #tpu.core_type<sc_vector_subcore>, window_params = [{transform_indices = #map}, {transform_indices = #map1}, {transform_indices = #map}]} {
    %mul3A = arith.constant 1 : i32
    %mul3A_0 = arith.muli %arg1, %mul3A : i32
    %add3A = arith.addi %mul3A_0, %arg0 : i32
    %mul3A_1 = arith.constant 32 : i32
    %mul3A_2 = arith.muli %add3A, %mul3A_1 : i32
    "tpu.region"() ({
      %run_scoped3A = tpu.sem_alloc : memref<!tpu.dma_semaphore, #tpu.memory_space<semaphore_mem>>
      %dma_start3A_7 = tpu.memref_slice %arg3[%mul3A_2] : memref<512xi32, #tpu.memory_space<hbm>> -> memref<32xi32, #tpu.memory_space<hbm>>
      %dma_start3A_8 = tpu.memref_slice %arg3[%mul3A_2] : memref<512xi32, #tpu.memory_space<hbm>> -> memref<32xi32, #tpu.memory_space<hbm>>
      tpu.enqueue_dma source(%dma_start3A_8 : memref<32xi32, #tpu.memory_space<hbm>>) target(%arg5 : memref<32xi32, #tpu.memory_space<vmem>>) target_semaphore(%run_scoped3A : memref<!tpu.dma_semaphore, #tpu.memory_space<semaphore_mem>>)
      %dma_wait3A_9 = tpu.memref_slice %arg3[%mul3A_2] : memref<512xi32, #tpu.memory_space<hbm>> -> memref<32xi32, #tpu.memory_space<hbm>>
      %dma_wait3A_10 = tpu.memref_slice %arg3[%mul3A_2] : memref<512xi32, #tpu.memory_space<hbm>> -> memref<32xi32, #tpu.memory_space<hbm>>
      tpu.wait_dma2 semaphore(%run_scoped3A : memref<!tpu.dma_semaphore, #tpu.memory_space<semaphore_mem>>) src(%dma_wait3A_10 : memref<32xi32, #tpu.memory_space<hbm>>) dst(%arg5 : memref<32xi32, #tpu.memory_space<vmem>>)
      tpu.yield
    }) : () -> ()
    %dma_start3A = arith.constant 0 : i32
    %dma_start3A_3 = arith.constant 0 : i32
    %dma_start3A_4 = tpu.memref_slice %arg2[%dma_start3A, %dma_start3A_3] : memref<512x256xf32, #tpu.memory_space<hbm>> -> memref<512x256xf32, #tpu.memory_space<hbm>>
    tpu.enqueue_indirect_dma source(%dma_start3A_4 : memref<512x256xf32, #tpu.memory_space<hbm>>) target(%arg6 : memref<32x256xf32, #tpu.memory_space<vmem>>) offsets(%arg5 : memref<32xi32, #tpu.memory_space<vmem>>) semaphore(%arg7 : memref<!tpu.dma_semaphore, #tpu.memory_space<semaphore_mem>>)
    %dma_wait3A = arith.constant 0 : i32
    %dma_wait3A_5 = arith.constant 0 : i32
    %dma_wait3A_6 = tpu.memref_slice %arg2[%dma_wait3A, %dma_wait3A_5] : memref<512x256xf32, #tpu.memory_space<hbm>> -> memref<512x256xf32, #tpu.memory_space<hbm>>
    tpu.wait_indirect_dma semaphore(%arg7 : memref<!tpu.dma_semaphore, #tpu.memory_space<semaphore_mem>>) src(%dma_wait3A_6 : memref<512x256xf32, #tpu.memory_space<hbm>>) dst(%arg6 : memref<32x256xf32, #tpu.memory_space<vmem>>)
    "tpu.region"() ({
      %run_scoped3A = tpu.sem_alloc : memref<!tpu.dma_semaphore, #tpu.memory_space<semaphore_mem>>
      %dma_start3A_7 = arith.constant 0 : i32
      %dma_start3A_8 = tpu.memref_slice %arg4[%mul3A_2, %dma_start3A_7] : memref<512x256xf32, #tpu.memory_space<hbm>> -> memref<32x256xf32, #tpu.memory_space<hbm>>
      %dma_start3A_9 = arith.constant 0 : i32
      %dma_start3A_10 = tpu.memref_slice %arg4[%mul3A_2, %dma_start3A_9] : memref<512x256xf32, #tpu.memory_space<hbm>> -> memref<32x256xf32, #tpu.memory_space<hbm>>
      tpu.enqueue_dma source(%arg6 : memref<32x256xf32, #tpu.memory_space<vmem>>) target(%dma_start3A_10 : memref<32x256xf32, #tpu.memory_space<hbm>>) target_semaphore(%run_scoped3A : memref<!tpu.dma_semaphore, #tpu.memory_space<semaphore_mem>>)
      %dma_wait3A_11 = arith.constant 0 : i32
      %dma_wait3A_12 = tpu.memref_slice %arg4[%mul3A_2, %dma_wait3A_11] : memref<512x256xf32, #tpu.memory_space<hbm>> -> memref<32x256xf32, #tpu.memory_space<hbm>>
      %dma_wait3A_13 = arith.constant 0 : i32
      %dma_wait3A_14 = tpu.memref_slice %arg4[%mul3A_2, %dma_wait3A_13] : memref<512x256xf32, #tpu.memory_space<hbm>> -> memref<32x256xf32, #tpu.memory_space<hbm>>
      tpu.wait_dma2 semaphore(%run_scoped3A : memref<!tpu.dma_semaphore, #tpu.memory_space<semaphore_mem>>) src(%arg6 : memref<32x256xf32, #tpu.memory_space<vmem>>) dst(%dma_wait3A_14 : memref<32x256xf32, #tpu.memory_space<hbm>>)
      tpu.yield
    }) : () -> ()
    return
  }
}

module attributes {stable_mosaic.version = 14 : i64} {
  func.func @_tc_scores_body(%arg0: memref<2x256x256xf32, #tpu.memory_space<vmem>>, %arg1: memref<256x512xf32, #tpu.memory_space<vmem>>, %arg2: memref<2x256xi32, #tpu.memory_space<vmem>>, %arg3: memref<512x256xf32, #tpu.memory_space<vmem>>) attributes {dimension_semantics = [], scalar_prefetch = 0 : i64, scratch_operands = 0 : i64, tpu.core_type = #tpu.core_type<tc>} {
    %get3A = arith.constant 0 : index
    %get3A_0 = arith.constant 0 : index
    %get3A_1 = vector.load %arg1[%get3A, %get3A_0] : memref<256x512xf32, #tpu.memory_space<vmem>>, vector<256x512xf32>
    %mul3A = arith.mulf %get3A_1, %get3A_1 : vector<256x512xf32>
    %reduce_sum3A = arith.constant dense<0.000000e+00> : vector<512xf32>
    %reduce_sum3A_2 = vector.multi_reduction <add>, %mul3A, %reduce_sum3A [0] : vector<256x512xf32> to vector<512xf32>
    %broadcast_in_dim3A = vector.shape_cast %reduce_sum3A_2 : vector<512xf32> to vector<1x512xf32>
    %get3A_3 = arith.constant 0 : index
    %get3A_4 = arith.constant 0 : index
    %get3A_5 = arith.constant 0 : index
    %get3A_6 = vector.load %arg0[%get3A_3, %get3A_4, %get3A_5] : memref<2x256x256xf32, #tpu.memory_space<vmem>>, vector<1x256x256xf32>
    %get3A_7 = vector.shape_cast %get3A_6 : vector<1x256x256xf32> to vector<256x256xf32>
    %dot_general3A = arith.constant dense<0.000000e+00> : vector<256x512xf32>
    %dot_general3A_8 = tpu.matmul %get3A_7, %get3A_1, %dot_general3A {dimension_numbers = #tpu.dot_dimension_numbers<[0], [0], [1], [1], [0, 1, 1, 1], [], []>, precision = #tpu.contract_precision<fp32>, transpose_lhs_hint = false} : vector<256x256xf32>, vector<256x512xf32>, vector<256x512xf32> -> vector<256x512xf32>
    %mul3A_9 = arith.constant 2.000000e+00 : f32
    %mul3A_10 = vector.broadcast %mul3A_9 : f32 to vector<256x512xf32>
    %mul3A_11 = arith.mulf %mul3A_10, %dot_general3A_8 : vector<256x512xf32>
    %sub3A = vector.broadcast %broadcast_in_dim3A : vector<1x512xf32> to vector<256x512xf32>
    %sub3A_12 = arith.subf %sub3A, %mul3A_11 : vector<256x512xf32>
    %iota3A = tpu.iota {dimensions = array<i32: 1>} : vector<256x512xi32>
    %reduce_min3A = arith.constant dense<0x7F800000> : vector<256xf32>
    %reduce_min3A_13 = vector.multi_reduction <minimumf>, %sub3A_12, %reduce_min3A [1] : vector<256x512xf32> to vector<256xf32>
    %broadcast_in_dim3A_14 = vector.shape_cast %reduce_min3A_13 : vector<256xf32> to vector<256x1xf32>
    %le3A = vector.broadcast %broadcast_in_dim3A_14 : vector<256x1xf32> to vector<256x512xf32>
    %le3A_15 = arith.cmpf ole, %sub3A_12, %le3A : vector<256x512xf32>
    %jit3A = arith.constant 512 : i32
    %broadcast_in_dim3A_16 = vector.broadcast %jit3A : i32 to vector<256x512xi32>
    %select_n3A = arith.select %le3A_15, %iota3A, %broadcast_in_dim3A_16 : vector<256x512xi1>, vector<256x512xi32>
    %reduce_min3A_17 = arith.constant dense<2147483647> : vector<256xi32>
    %reduce_min3A_18 = vector.multi_reduction <minsi>, %select_n3A, %reduce_min3A_17 [1] : vector<256x512xi32> to vector<256xi32>
    %broadcast_in_dim3A_19 = vector.shape_cast %reduce_min3A_18 : vector<256xi32> to vector<256x1xi32>
    %eq3A = vector.broadcast %broadcast_in_dim3A_19 : vector<256x1xi32> to vector<256x512xi32>
    %eq3A_20 = arith.cmpi eq, %iota3A, %eq3A : vector<256x512xi32>
    %jit3A_21 = arith.constant 0x7F800000 : f32
    %broadcast_in_dim3A_22 = vector.broadcast %jit3A_21 : f32 to vector<256x512xf32>
    %select_n3A_23 = arith.select %eq3A_20, %broadcast_in_dim3A_22, %sub3A_12 : vector<256x512xi1>, vector<256x512xf32>
    %reduce_min3A_24 = arith.constant dense<0x7F800000> : vector<256xf32>
    %reduce_min3A_25 = vector.multi_reduction <minimumf>, %select_n3A_23, %reduce_min3A_24 [1] : vector<256x512xf32> to vector<256xf32>
    %broadcast_in_dim3A_26 = vector.shape_cast %reduce_min3A_25 : vector<256xf32> to vector<256x1xf32>
    %le3A_27 = vector.broadcast %broadcast_in_dim3A_26 : vector<256x1xf32> to vector<256x512xf32>
    %le3A_28 = arith.cmpf ole, %select_n3A_23, %le3A_27 : vector<256x512xf32>
    %jit3A_29 = arith.constant 512 : i32
    %broadcast_in_dim3A_30 = vector.broadcast %jit3A_29 : i32 to vector<256x512xi32>
    %select_n3A_31 = arith.select %le3A_28, %iota3A, %broadcast_in_dim3A_30 : vector<256x512xi1>, vector<256x512xi32>
    %reduce_min3A_32 = arith.constant dense<2147483647> : vector<256xi32>
    %reduce_min3A_33 = vector.multi_reduction <minsi>, %select_n3A_31, %reduce_min3A_32 [1] : vector<256x512xi32> to vector<256xi32>
    %concatenate3A = tpu.concatenate %reduce_min3A_18, %reduce_min3A_33 in 0 : vector<256xi32>, vector<256xi32> -> vector<512xi32>
    %iota3A_34 = tpu.iota {dimensions = array<i32: 0>} : vector<512x512xi32>
    %broadcast_in_dim3A_35 = vector.shape_cast %concatenate3A : vector<512xi32> to vector<1x512xi32>
    %eq3A_36 = vector.broadcast %broadcast_in_dim3A_35 : vector<1x512xi32> to vector<512x512xi32>
    %eq3A_37 = arith.cmpi eq, %iota3A_34, %eq3A_36 : vector<512x512xi32>
    %convert_element_type3A = arith.extui %eq3A_37 : vector<512x512xi1> to vector<512x512xi32>
    %convert_element_type3A_38 = arith.sitofp %convert_element_type3A : vector<512x512xi32> to vector<512x512xf32>
    %dot_general3A_39 = arith.constant dense<0.000000e+00> : vector<256x512xf32>
    %dot_general3A_40 = tpu.matmul %get3A_1, %convert_element_type3A_38, %dot_general3A_39 {dimension_numbers = #tpu.dot_dimension_numbers<[1], [0], [0], [1], [0, 0, 1, 1], [], []>, precision = #tpu.contract_precision<fp32>, transpose_lhs_hint = false} : vector<256x512xf32>, vector<512x512xf32>, vector<256x512xf32> -> vector<256x512xf32>
    %concatenate3A_41 = tpu.concatenate %get3A_7, %get3A_7 in 1 : vector<256x256xf32>, vector<256x256xf32> -> vector<256x512xf32>
    %sub3A_42 = arith.subf %concatenate3A_41, %dot_general3A_40 : vector<256x512xf32>
    %mul3A_43 = arith.mulf %sub3A_42, %sub3A_42 : vector<256x512xf32>
    %slice3A = vector.extract_strided_slice %mul3A_43 {offsets = [0, 0], sizes = [8, 512], strides = [1, 1]} : vector<256x512xf32> to vector<8x512xf32>
    %slice3A_44 = vector.extract_strided_slice %mul3A_43 {offsets = [8, 0], sizes = [8, 512], strides = [1, 1]} : vector<256x512xf32> to vector<8x512xf32>
    %add3A = arith.addf %slice3A, %slice3A_44 : vector<8x512xf32>
    %slice3A_45 = vector.extract_strided_slice %mul3A_43 {offsets = [16, 0], sizes = [8, 512], strides = [1, 1]} : vector<256x512xf32> to vector<8x512xf32>
    %add3A_46 = arith.addf %add3A, %slice3A_45 : vector<8x512xf32>
    %slice3A_47 = vector.extract_strided_slice %mul3A_43 {offsets = [24, 0], sizes = [8, 512], strides = [1, 1]} : vector<256x512xf32> to vector<8x512xf32>
    %add3A_48 = arith.addf %add3A_46, %slice3A_47 : vector<8x512xf32>
    %slice3A_49 = vector.extract_strided_slice %mul3A_43 {offsets = [32, 0], sizes = [8, 512], strides = [1, 1]} : vector<256x512xf32> to vector<8x512xf32>
    %add3A_50 = arith.addf %add3A_48, %slice3A_49 : vector<8x512xf32>
    %slice3A_51 = vector.extract_strided_slice %mul3A_43 {offsets = [40, 0], sizes = [8, 512], strides = [1, 1]} : vector<256x512xf32> to vector<8x512xf32>
    %add3A_52 = arith.addf %add3A_50, %slice3A_51 : vector<8x512xf32>
    %slice3A_53 = vector.extract_strided_slice %mul3A_43 {offsets = [48, 0], sizes = [8, 512], strides = [1, 1]} : vector<256x512xf32> to vector<8x512xf32>
    %add3A_54 = arith.addf %add3A_52, %slice3A_53 : vector<8x512xf32>
    %slice3A_55 = vector.extract_strided_slice %mul3A_43 {offsets = [56, 0], sizes = [8, 512], strides = [1, 1]} : vector<256x512xf32> to vector<8x512xf32>
    %add3A_56 = arith.addf %add3A_54, %slice3A_55 : vector<8x512xf32>
    %slice3A_57 = vector.extract_strided_slice %mul3A_43 {offsets = [64, 0], sizes = [8, 512], strides = [1, 1]} : vector<256x512xf32> to vector<8x512xf32>
    %add3A_58 = arith.addf %add3A_56, %slice3A_57 : vector<8x512xf32>
    %slice3A_59 = vector.extract_strided_slice %mul3A_43 {offsets = [72, 0], sizes = [8, 512], strides = [1, 1]} : vector<256x512xf32> to vector<8x512xf32>
    %add3A_60 = arith.addf %add3A_58, %slice3A_59 : vector<8x512xf32>
    %slice3A_61 = vector.extract_strided_slice %mul3A_43 {offsets = [80, 0], sizes = [8, 512], strides = [1, 1]} : vector<256x512xf32> to vector<8x512xf32>
    %add3A_62 = arith.addf %add3A_60, %slice3A_61 : vector<8x512xf32>
    %slice3A_63 = vector.extract_strided_slice %mul3A_43 {offsets = [88, 0], sizes = [8, 512], strides = [1, 1]} : vector<256x512xf32> to vector<8x512xf32>
    %add3A_64 = arith.addf %add3A_62, %slice3A_63 : vector<8x512xf32>
    %slice3A_65 = vector.extract_strided_slice %mul3A_43 {offsets = [96, 0], sizes = [8, 512], strides = [1, 1]} : vector<256x512xf32> to vector<8x512xf32>
    %add3A_66 = arith.addf %add3A_64, %slice3A_65 : vector<8x512xf32>
    %slice3A_67 = vector.extract_strided_slice %mul3A_43 {offsets = [104, 0], sizes = [8, 512], strides = [1, 1]} : vector<256x512xf32> to vector<8x512xf32>
    %add3A_68 = arith.addf %add3A_66, %slice3A_67 : vector<8x512xf32>
    %slice3A_69 = vector.extract_strided_slice %mul3A_43 {offsets = [112, 0], sizes = [8, 512], strides = [1, 1]} : vector<256x512xf32> to vector<8x512xf32>
    %add3A_70 = arith.addf %add3A_68, %slice3A_69 : vector<8x512xf32>
    %slice3A_71 = vector.extract_strided_slice %mul3A_43 {offsets = [120, 0], sizes = [8, 512], strides = [1, 1]} : vector<256x512xf32> to vector<8x512xf32>
    %add3A_72 = arith.addf %add3A_70, %slice3A_71 : vector<8x512xf32>
    %slice3A_73 = vector.extract_strided_slice %mul3A_43 {offsets = [128, 0], sizes = [8, 512], strides = [1, 1]} : vector<256x512xf32> to vector<8x512xf32>
    %add3A_74 = arith.addf %add3A_72, %slice3A_73 : vector<8x512xf32>
    %slice3A_75 = vector.extract_strided_slice %mul3A_43 {offsets = [136, 0], sizes = [8, 512], strides = [1, 1]} : vector<256x512xf32> to vector<8x512xf32>
    %add3A_76 = arith.addf %add3A_74, %slice3A_75 : vector<8x512xf32>
    %slice3A_77 = vector.extract_strided_slice %mul3A_43 {offsets = [144, 0], sizes = [8, 512], strides = [1, 1]} : vector<256x512xf32> to vector<8x512xf32>
    %add3A_78 = arith.addf %add3A_76, %slice3A_77 : vector<8x512xf32>
    %slice3A_79 = vector.extract_strided_slice %mul3A_43 {offsets = [152, 0], sizes = [8, 512], strides = [1, 1]} : vector<256x512xf32> to vector<8x512xf32>
    %add3A_80 = arith.addf %add3A_78, %slice3A_79 : vector<8x512xf32>
    %slice3A_81 = vector.extract_strided_slice %mul3A_43 {offsets = [160, 0], sizes = [8, 512], strides = [1, 1]} : vector<256x512xf32> to vector<8x512xf32>
    %add3A_82 = arith.addf %add3A_80, %slice3A_81 : vector<8x512xf32>
    %slice3A_83 = vector.extract_strided_slice %mul3A_43 {offsets = [168, 0], sizes = [8, 512], strides = [1, 1]} : vector<256x512xf32> to vector<8x512xf32>
    %add3A_84 = arith.addf %add3A_82, %slice3A_83 : vector<8x512xf32>
    %slice3A_85 = vector.extract_strided_slice %mul3A_43 {offsets = [176, 0], sizes = [8, 512], strides = [1, 1]} : vector<256x512xf32> to vector<8x512xf32>
    %add3A_86 = arith.addf %add3A_84, %slice3A_85 : vector<8x512xf32>
    %slice3A_87 = vector.extract_strided_slice %mul3A_43 {offsets = [184, 0], sizes = [8, 512], strides = [1, 1]} : vector<256x512xf32> to vector<8x512xf32>
    %add3A_88 = arith.addf %add3A_86, %slice3A_87 : vector<8x512xf32>
    %slice3A_89 = vector.extract_strided_slice %mul3A_43 {offsets = [192, 0], sizes = [8, 512], strides = [1, 1]} : vector<256x512xf32> to vector<8x512xf32>
    %add3A_90 = arith.addf %add3A_88, %slice3A_89 : vector<8x512xf32>
    %slice3A_91 = vector.extract_strided_slice %mul3A_43 {offsets = [200, 0], sizes = [8, 512], strides = [1, 1]} : vector<256x512xf32> to vector<8x512xf32>
    %add3A_92 = arith.addf %add3A_90, %slice3A_91 : vector<8x512xf32>
    %slice3A_93 = vector.extract_strided_slice %mul3A_43 {offsets = [208, 0], sizes = [8, 512], strides = [1, 1]} : vector<256x512xf32> to vector<8x512xf32>
    %add3A_94 = arith.addf %add3A_92, %slice3A_93 : vector<8x512xf32>
    %slice3A_95 = vector.extract_strided_slice %mul3A_43 {offsets = [216, 0], sizes = [8, 512], strides = [1, 1]} : vector<256x512xf32> to vector<8x512xf32>
    %add3A_96 = arith.addf %add3A_94, %slice3A_95 : vector<8x512xf32>
    %slice3A_97 = vector.extract_strided_slice %mul3A_43 {offsets = [224, 0], sizes = [8, 512], strides = [1, 1]} : vector<256x512xf32> to vector<8x512xf32>
    %add3A_98 = arith.addf %add3A_96, %slice3A_97 : vector<8x512xf32>
    %slice3A_99 = vector.extract_strided_slice %mul3A_43 {offsets = [232, 0], sizes = [8, 512], strides = [1, 1]} : vector<256x512xf32> to vector<8x512xf32>
    %add3A_100 = arith.addf %add3A_98, %slice3A_99 : vector<8x512xf32>
    %slice3A_101 = vector.extract_strided_slice %mul3A_43 {offsets = [240, 0], sizes = [8, 512], strides = [1, 1]} : vector<256x512xf32> to vector<8x512xf32>
    %add3A_102 = arith.addf %add3A_100, %slice3A_101 : vector<8x512xf32>
    %slice3A_103 = vector.extract_strided_slice %mul3A_43 {offsets = [248, 0], sizes = [8, 512], strides = [1, 1]} : vector<256x512xf32> to vector<8x512xf32>
    %add3A_104 = arith.addf %add3A_102, %slice3A_103 : vector<8x512xf32>
    %slice3A_105 = vector.extract_strided_slice %add3A_104 {offsets = [0, 0], sizes = [1, 512], strides = [1, 1]} : vector<8x512xf32> to vector<1x512xf32>
    %squeeze3A = vector.shape_cast %slice3A_105 : vector<1x512xf32> to vector<512xf32>
    %slice3A_106 = vector.extract_strided_slice %add3A_104 {offsets = [1, 0], sizes = [1, 512], strides = [1, 1]} : vector<8x512xf32> to vector<1x512xf32>
    %squeeze3A_107 = vector.shape_cast %slice3A_106 : vector<1x512xf32> to vector<512xf32>
    %add3A_108 = arith.addf %squeeze3A, %squeeze3A_107 : vector<512xf32>
    %slice3A_109 = vector.extract_strided_slice %add3A_104 {offsets = [2, 0], sizes = [1, 512], strides = [1, 1]} : vector<8x512xf32> to vector<1x512xf32>
    %squeeze3A_110 = vector.shape_cast %slice3A_109 : vector<1x512xf32> to vector<512xf32>
    %add3A_111 = arith.addf %add3A_108, %squeeze3A_110 : vector<512xf32>
    %slice3A_112 = vector.extract_strided_slice %add3A_104 {offsets = [3, 0], sizes = [1, 512], strides = [1, 1]} : vector<8x512xf32> to vector<1x512xf32>
    %squeeze3A_113 = vector.shape_cast %slice3A_112 : vector<1x512xf32> to vector<512xf32>
    %add3A_114 = arith.addf %add3A_111, %squeeze3A_113 : vector<512xf32>
    %slice3A_115 = vector.extract_strided_slice %add3A_104 {offsets = [4, 0], sizes = [1, 512], strides = [1, 1]} : vector<8x512xf32> to vector<1x512xf32>
    %squeeze3A_116 = vector.shape_cast %slice3A_115 : vector<1x512xf32> to vector<512xf32>
    %add3A_117 = arith.addf %add3A_114, %squeeze3A_116 : vector<512xf32>
    %slice3A_118 = vector.extract_strided_slice %add3A_104 {offsets = [5, 0], sizes = [1, 512], strides = [1, 1]} : vector<8x512xf32> to vector<1x512xf32>
    %squeeze3A_119 = vector.shape_cast %slice3A_118 : vector<1x512xf32> to vector<512xf32>
    %add3A_120 = arith.addf %add3A_117, %squeeze3A_119 : vector<512xf32>
    %slice3A_121 = vector.extract_strided_slice %add3A_104 {offsets = [6, 0], sizes = [1, 512], strides = [1, 1]} : vector<8x512xf32> to vector<1x512xf32>
    %squeeze3A_122 = vector.shape_cast %slice3A_121 : vector<1x512xf32> to vector<512xf32>
    %add3A_123 = arith.addf %add3A_120, %squeeze3A_122 : vector<512xf32>
    %slice3A_124 = vector.extract_strided_slice %add3A_104 {offsets = [7, 0], sizes = [1, 512], strides = [1, 1]} : vector<8x512xf32> to vector<1x512xf32>
    %squeeze3A_125 = vector.shape_cast %slice3A_124 : vector<1x512xf32> to vector<512xf32>
    %add3A_126 = arith.addf %add3A_123, %squeeze3A_125 : vector<512xf32>
    %sqrt3A = math.sqrt %add3A_126 : vector<512xf32>
    %slice3A_127 = vector.extract_strided_slice %sqrt3A {offsets = [0], sizes = [256], strides = [1]} : vector<512xf32> to vector<256xf32>
    %slice3A_128 = vector.extract_strided_slice %sqrt3A {offsets = [256], sizes = [256], strides = [1]} : vector<512xf32> to vector<256xf32>
    %lt3A = arith.cmpf olt, %slice3A_128, %slice3A_127 : vector<256xf32>
    %eq3A_129 = arith.cmpf oeq, %slice3A_128, %slice3A_127 : vector<256xf32>
    %lt3A_130 = arith.cmpi slt, %reduce_min3A_33, %reduce_min3A_18 : vector<256xi32>
    %and3A = arith.andi %eq3A_129, %lt3A_130 : vector<256xi1>
    %or3A = arith.ori %lt3A, %and3A : vector<256xi1>
    %select_n3A_131 = arith.select %or3A, %reduce_min3A_33, %reduce_min3A_18 : vector<256xi1>, vector<256xi32>
    %reduce_min3A_132 = arith.constant dense<0x7F800000> : vector<256xf32>
    %reduce_min3A_133 = vector.multi_reduction <minimumf>, %select_n3A_23, %reduce_min3A_132 [1] : vector<256x512xf32> to vector<256xf32>
    %reduce_min3A_134 = arith.constant dense<0x7F800000> : vector<256xf32>
    %reduce_min3A_135 = vector.multi_reduction <minimumf>, %sub3A_12, %reduce_min3A_134 [1] : vector<256x512xf32> to vector<256xf32>
    %sub3A_136 = arith.subf %reduce_min3A_133, %reduce_min3A_135 : vector<256xf32>
    %lt3A_137 = arith.constant 4.000000e-03 : f32
    %lt3A_138 = vector.broadcast %lt3A_137 : f32 to vector<256xf32>
    %lt3A_139 = arith.cmpf olt, %sub3A_136, %lt3A_138 : vector<256xf32>
    %select_n3A_140 = arith.select %lt3A_139, %select_n3A_131, %reduce_min3A_18 : vector<256xi1>, vector<256xi32>
    %swap3A = arith.constant 0 : index
    %swap3A_141 = arith.constant 0 : index
    %swap3A_142 = vector.load %arg2[%swap3A, %swap3A_141] : memref<2x256xi32, #tpu.memory_space<vmem>>, vector<1x256xi32>
    %swap3A_143 = vector.shape_cast %swap3A_142 : vector<1x256xi32> to vector<256xi32>
    %swap3A_144 = vector.shape_cast %select_n3A_140 : vector<256xi32> to vector<1x256xi32>
    tpu.vector_store %arg2[%swap3A, %swap3A_141], %swap3A_144 {strides = array<i32>} : memref<2x256xi32, #tpu.memory_space<vmem>>, vector<1x256xi32>,
    %get3A_145 = arith.constant 1 : index
    %get3A_146 = arith.constant 0 : index
    %get3A_147 = arith.constant 0 : index
    %get3A_148 = vector.load %arg0[%get3A_145, %get3A_146, %get3A_147] : memref<2x256x256xf32, #tpu.memory_space<vmem>>, vector<1x256x256xf32>
    %get3A_149 = vector.shape_cast %get3A_148 : vector<1x256x256xf32> to vector<256x256xf32>
    %dot_general3A_150 = arith.constant dense<0.000000e+00> : vector<256x512xf32>
    %dot_general3A_151 = tpu.matmul %get3A_149, %get3A_1, %dot_general3A_150 {dimension_numbers = #tpu.dot_dimension_numbers<[0], [0], [1], [1], [0, 1, 1, 1], [], []>, precision = #tpu.contract_precision<fp32>, transpose_lhs_hint = false} : vector<256x256xf32>, vector<256x512xf32>, vector<256x512xf32> -> vector<256x512xf32>
    %mul3A_152 = arith.constant 2.000000e+00 : f32
    %mul3A_153 = vector.broadcast %mul3A_152 : f32 to vector<256x512xf32>
    %mul3A_154 = arith.mulf %mul3A_153, %dot_general3A_151 : vector<256x512xf32>
    %sub3A_155 = vector.broadcast %broadcast_in_dim3A : vector<1x512xf32> to vector<256x512xf32>
    %sub3A_156 = arith.subf %sub3A_155, %mul3A_154 : vector<256x512xf32>
    %iota3A_157 = tpu.iota {dimensions = array<i32: 1>} : vector<256x512xi32>
    %reduce_min3A_158 = arith.constant dense<0x7F800000> : vector<256xf32>
    %reduce_min3A_159 = vector.multi_reduction <minimumf>, %sub3A_156, %reduce_min3A_158 [1] : vector<256x512xf32> to vector<256xf32>
    %broadcast_in_dim3A_160 = vector.shape_cast %reduce_min3A_159 : vector<256xf32> to vector<256x1xf32>
    %le3A_161 = vector.broadcast %broadcast_in_dim3A_160 : vector<256x1xf32> to vector<256x512xf32>
    %le3A_162 = arith.cmpf ole, %sub3A_156, %le3A_161 : vector<256x512xf32>
    %jit3A_163 = arith.constant 512 : i32
    %broadcast_in_dim3A_164 = vector.broadcast %jit3A_163 : i32 to vector<256x512xi32>
    %select_n3A_165 = arith.select %le3A_162, %iota3A_157, %broadcast_in_dim3A_164 : vector<256x512xi1>, vector<256x512xi32>
    %reduce_min3A_166 = arith.constant dense<2147483647> : vector<256xi32>
    %reduce_min3A_167 = vector.multi_reduction <minsi>, %select_n3A_165, %reduce_min3A_166 [1] : vector<256x512xi32> to vector<256xi32>
    %broadcast_in_dim3A_168 = vector.shape_cast %reduce_min3A_167 : vector<256xi32> to vector<256x1xi32>
    %eq3A_169 = vector.broadcast %broadcast_in_dim3A_168 : vector<256x1xi32> to vector<256x512xi32>
    %eq3A_170 = arith.cmpi eq, %iota3A_157, %eq3A_169 : vector<256x512xi32>
    %jit3A_171 = arith.constant 0x7F800000 : f32
    %broadcast_in_dim3A_172 = vector.broadcast %jit3A_171 : f32 to vector<256x512xf32>
    %select_n3A_173 = arith.select %eq3A_170, %broadcast_in_dim3A_172, %sub3A_156 : vector<256x512xi1>, vector<256x512xf32>
    %reduce_min3A_174 = arith.constant dense<0x7F800000> : vector<256xf32>
    %reduce_min3A_175 = vector.multi_reduction <minimumf>, %select_n3A_173, %reduce_min3A_174 [1] : vector<256x512xf32> to vector<256xf32>
    %broadcast_in_dim3A_176 = vector.shape_cast %reduce_min3A_175 : vector<256xf32> to vector<256x1xf32>
    %le3A_177 = vector.broadcast %broadcast_in_dim3A_176 : vector<256x1xf32> to vector<256x512xf32>
    %le3A_178 = arith.cmpf ole, %select_n3A_173, %le3A_177 : vector<256x512xf32>
    %jit3A_179 = arith.constant 512 : i32
    %broadcast_in_dim3A_180 = vector.broadcast %jit3A_179 : i32 to vector<256x512xi32>
    %select_n3A_181 = arith.select %le3A_178, %iota3A_157, %broadcast_in_dim3A_180 : vector<256x512xi1>, vector<256x512xi32>
    %reduce_min3A_182 = arith.constant dense<2147483647> : vector<256xi32>
    %reduce_min3A_183 = vector.multi_reduction <minsi>, %select_n3A_181, %reduce_min3A_182 [1] : vector<256x512xi32> to vector<256xi32>
    %concatenate3A_184 = tpu.concatenate %reduce_min3A_167, %reduce_min3A_183 in 0 : vector<256xi32>, vector<256xi32> -> vector<512xi32>
    %iota3A_185 = tpu.iota {dimensions = array<i32: 0>} : vector<512x512xi32>
    %broadcast_in_dim3A_186 = vector.shape_cast %concatenate3A_184 : vector<512xi32> to vector<1x512xi32>
    %eq3A_187 = vector.broadcast %broadcast_in_dim3A_186 : vector<1x512xi32> to vector<512x512xi32>
    %eq3A_188 = arith.cmpi eq, %iota3A_185, %eq3A_187 : vector<512x512xi32>
    %convert_element_type3A_189 = arith.extui %eq3A_188 : vector<512x512xi1> to vector<512x512xi32>
    %convert_element_type3A_190 = arith.sitofp %convert_element_type3A_189 : vector<512x512xi32> to vector<512x512xf32>
    %dot_general3A_191 = arith.constant dense<0.000000e+00> : vector<256x512xf32>
    %dot_general3A_192 = tpu.matmul %get3A_1, %convert_element_type3A_190, %dot_general3A_191 {dimension_numbers = #tpu.dot_dimension_numbers<[1], [0], [0], [1], [0, 0, 1, 1], [], []>, precision = #tpu.contract_precision<fp32>, transpose_lhs_hint = false} : vector<256x512xf32>, vector<512x512xf32>, vector<256x512xf32> -> vector<256x512xf32>
    %concatenate3A_193 = tpu.concatenate %get3A_149, %get3A_149 in 1 : vector<256x256xf32>, vector<256x256xf32> -> vector<256x512xf32>
    %sub3A_194 = arith.subf %concatenate3A_193, %dot_general3A_192 : vector<256x512xf32>
    %mul3A_195 = arith.mulf %sub3A_194, %sub3A_194 : vector<256x512xf32>
    %slice3A_196 = vector.extract_strided_slice %mul3A_195 {offsets = [0, 0], sizes = [8, 512], strides = [1, 1]} : vector<256x512xf32> to vector<8x512xf32>
    %slice3A_197 = vector.extract_strided_slice %mul3A_195 {offsets = [8, 0], sizes = [8, 512], strides = [1, 1]} : vector<256x512xf32> to vector<8x512xf32>
    %add3A_198 = arith.addf %slice3A_196, %slice3A_197 : vector<8x512xf32>
    %slice3A_199 = vector.extract_strided_slice %mul3A_195 {offsets = [16, 0], sizes = [8, 512], strides = [1, 1]} : vector<256x512xf32> to vector<8x512xf32>
    %add3A_200 = arith.addf %add3A_198, %slice3A_199 : vector<8x512xf32>
    %slice3A_201 = vector.extract_strided_slice %mul3A_195 {offsets = [24, 0], sizes = [8, 512], strides = [1, 1]} : vector<256x512xf32> to vector<8x512xf32>
    %add3A_202 = arith.addf %add3A_200, %slice3A_201 : vector<8x512xf32>
    %slice3A_203 = vector.extract_strided_slice %mul3A_195 {offsets = [32, 0], sizes = [8, 512], strides = [1, 1]} : vector<256x512xf32> to vector<8x512xf32>
    %add3A_204 = arith.addf %add3A_202, %slice3A_203 : vector<8x512xf32>
    %slice3A_205 = vector.extract_strided_slice %mul3A_195 {offsets = [40, 0], sizes = [8, 512], strides = [1, 1]} : vector<256x512xf32> to vector<8x512xf32>
    %add3A_206 = arith.addf %add3A_204, %slice3A_205 : vector<8x512xf32>
    %slice3A_207 = vector.extract_strided_slice %mul3A_195 {offsets = [48, 0], sizes = [8, 512], strides = [1, 1]} : vector<256x512xf32> to vector<8x512xf32>
    %add3A_208 = arith.addf %add3A_206, %slice3A_207 : vector<8x512xf32>
    %slice3A_209 = vector.extract_strided_slice %mul3A_195 {offsets = [56, 0], sizes = [8, 512], strides = [1, 1]} : vector<256x512xf32> to vector<8x512xf32>
    %add3A_210 = arith.addf %add3A_208, %slice3A_209 : vector<8x512xf32>
    %slice3A_211 = vector.extract_strided_slice %mul3A_195 {offsets = [64, 0], sizes = [8, 512], strides = [1, 1]} : vector<256x512xf32> to vector<8x512xf32>
    %add3A_212 = arith.addf %add3A_210, %slice3A_211 : vector<8x512xf32>
    %slice3A_213 = vector.extract_strided_slice %mul3A_195 {offsets = [72, 0], sizes = [8, 512], strides = [1, 1]} : vector<256x512xf32> to vector<8x512xf32>
    %add3A_214 = arith.addf %add3A_212, %slice3A_213 : vector<8x512xf32>
    %slice3A_215 = vector.extract_strided_slice %mul3A_195 {offsets = [80, 0], sizes = [8, 512], strides = [1, 1]} : vector<256x512xf32> to vector<8x512xf32>
    %add3A_216 = arith.addf %add3A_214, %slice3A_215 : vector<8x512xf32>
    %slice3A_217 = vector.extract_strided_slice %mul3A_195 {offsets = [88, 0], sizes = [8, 512], strides = [1, 1]} : vector<256x512xf32> to vector<8x512xf32>
    %add3A_218 = arith.addf %add3A_216, %slice3A_217 : vector<8x512xf32>
    %slice3A_219 = vector.extract_strided_slice %mul3A_195 {offsets = [96, 0], sizes = [8, 512], strides = [1, 1]} : vector<256x512xf32> to vector<8x512xf32>
    %add3A_220 = arith.addf %add3A_218, %slice3A_219 : vector<8x512xf32>
    %slice3A_221 = vector.extract_strided_slice %mul3A_195 {offsets = [104, 0], sizes = [8, 512], strides = [1, 1]} : vector<256x512xf32> to vector<8x512xf32>
    %add3A_222 = arith.addf %add3A_220, %slice3A_221 : vector<8x512xf32>
    %slice3A_223 = vector.extract_strided_slice %mul3A_195 {offsets = [112, 0], sizes = [8, 512], strides = [1, 1]} : vector<256x512xf32> to vector<8x512xf32>
    %add3A_224 = arith.addf %add3A_222, %slice3A_223 : vector<8x512xf32>
    %slice3A_225 = vector.extract_strided_slice %mul3A_195 {offsets = [120, 0], sizes = [8, 512], strides = [1, 1]} : vector<256x512xf32> to vector<8x512xf32>
    %add3A_226 = arith.addf %add3A_224, %slice3A_225 : vector<8x512xf32>
    %slice3A_227 = vector.extract_strided_slice %mul3A_195 {offsets = [128, 0], sizes = [8, 512], strides = [1, 1]} : vector<256x512xf32> to vector<8x512xf32>
    %add3A_228 = arith.addf %add3A_226, %slice3A_227 : vector<8x512xf32>
    %slice3A_229 = vector.extract_strided_slice %mul3A_195 {offsets = [136, 0], sizes = [8, 512], strides = [1, 1]} : vector<256x512xf32> to vector<8x512xf32>
    %add3A_230 = arith.addf %add3A_228, %slice3A_229 : vector<8x512xf32>
    %slice3A_231 = vector.extract_strided_slice %mul3A_195 {offsets = [144, 0], sizes = [8, 512], strides = [1, 1]} : vector<256x512xf32> to vector<8x512xf32>
    %add3A_232 = arith.addf %add3A_230, %slice3A_231 : vector<8x512xf32>
    %slice3A_233 = vector.extract_strided_slice %mul3A_195 {offsets = [152, 0], sizes = [8, 512], strides = [1, 1]} : vector<256x512xf32> to vector<8x512xf32>
    %add3A_234 = arith.addf %add3A_232, %slice3A_233 : vector<8x512xf32>
    %slice3A_235 = vector.extract_strided_slice %mul3A_195 {offsets = [160, 0], sizes = [8, 512], strides = [1, 1]} : vector<256x512xf32> to vector<8x512xf32>
    %add3A_236 = arith.addf %add3A_234, %slice3A_235 : vector<8x512xf32>
    %slice3A_237 = vector.extract_strided_slice %mul3A_195 {offsets = [168, 0], sizes = [8, 512], strides = [1, 1]} : vector<256x512xf32> to vector<8x512xf32>
    %add3A_238 = arith.addf %add3A_236, %slice3A_237 : vector<8x512xf32>
    %slice3A_239 = vector.extract_strided_slice %mul3A_195 {offsets = [176, 0], sizes = [8, 512], strides = [1, 1]} : vector<256x512xf32> to vector<8x512xf32>
    %add3A_240 = arith.addf %add3A_238, %slice3A_239 : vector<8x512xf32>
    %slice3A_241 = vector.extract_strided_slice %mul3A_195 {offsets = [184, 0], sizes = [8, 512], strides = [1, 1]} : vector<256x512xf32> to vector<8x512xf32>
    %add3A_242 = arith.addf %add3A_240, %slice3A_241 : vector<8x512xf32>
    %slice3A_243 = vector.extract_strided_slice %mul3A_195 {offsets = [192, 0], sizes = [8, 512], strides = [1, 1]} : vector<256x512xf32> to vector<8x512xf32>
    %add3A_244 = arith.addf %add3A_242, %slice3A_243 : vector<8x512xf32>
    %slice3A_245 = vector.extract_strided_slice %mul3A_195 {offsets = [200, 0], sizes = [8, 512], strides = [1, 1]} : vector<256x512xf32> to vector<8x512xf32>
    %add3A_246 = arith.addf %add3A_244, %slice3A_245 : vector<8x512xf32>
    %slice3A_247 = vector.extract_strided_slice %mul3A_195 {offsets = [208, 0], sizes = [8, 512], strides = [1, 1]} : vector<256x512xf32> to vector<8x512xf32>
    %add3A_248 = arith.addf %add3A_246, %slice3A_247 : vector<8x512xf32>
    %slice3A_249 = vector.extract_strided_slice %mul3A_195 {offsets = [216, 0], sizes = [8, 512], strides = [1, 1]} : vector<256x512xf32> to vector<8x512xf32>
    %add3A_250 = arith.addf %add3A_248, %slice3A_249 : vector<8x512xf32>
    %slice3A_251 = vector.extract_strided_slice %mul3A_195 {offsets = [224, 0], sizes = [8, 512], strides = [1, 1]} : vector<256x512xf32> to vector<8x512xf32>
    %add3A_252 = arith.addf %add3A_250, %slice3A_251 : vector<8x512xf32>
    %slice3A_253 = vector.extract_strided_slice %mul3A_195 {offsets = [232, 0], sizes = [8, 512], strides = [1, 1]} : vector<256x512xf32> to vector<8x512xf32>
    %add3A_254 = arith.addf %add3A_252, %slice3A_253 : vector<8x512xf32>
    %slice3A_255 = vector.extract_strided_slice %mul3A_195 {offsets = [240, 0], sizes = [8, 512], strides = [1, 1]} : vector<256x512xf32> to vector<8x512xf32>
    %add3A_256 = arith.addf %add3A_254, %slice3A_255 : vector<8x512xf32>
    %slice3A_257 = vector.extract_strided_slice %mul3A_195 {offsets = [248, 0], sizes = [8, 512], strides = [1, 1]} : vector<256x512xf32> to vector<8x512xf32>
    %add3A_258 = arith.addf %add3A_256, %slice3A_257 : vector<8x512xf32>
    %slice3A_259 = vector.extract_strided_slice %add3A_258 {offsets = [0, 0], sizes = [1, 512], strides = [1, 1]} : vector<8x512xf32> to vector<1x512xf32>
    %squeeze3A_260 = vector.shape_cast %slice3A_259 : vector<1x512xf32> to vector<512xf32>
    %slice3A_261 = vector.extract_strided_slice %add3A_258 {offsets = [1, 0], sizes = [1, 512], strides = [1, 1]} : vector<8x512xf32> to vector<1x512xf32>
    %squeeze3A_262 = vector.shape_cast %slice3A_261 : vector<1x512xf32> to vector<512xf32>
    %add3A_263 = arith.addf %squeeze3A_260, %squeeze3A_262 : vector<512xf32>
    %slice3A_264 = vector.extract_strided_slice %add3A_258 {offsets = [2, 0], sizes = [1, 512], strides = [1, 1]} : vector<8x512xf32> to vector<1x512xf32>
    %squeeze3A_265 = vector.shape_cast %slice3A_264 : vector<1x512xf32> to vector<512xf32>
    %add3A_266 = arith.addf %add3A_263, %squeeze3A_265 : vector<512xf32>
    %slice3A_267 = vector.extract_strided_slice %add3A_258 {offsets = [3, 0], sizes = [1, 512], strides = [1, 1]} : vector<8x512xf32> to vector<1x512xf32>
    %squeeze3A_268 = vector.shape_cast %slice3A_267 : vector<1x512xf32> to vector<512xf32>
    %add3A_269 = arith.addf %add3A_266, %squeeze3A_268 : vector<512xf32>
    %slice3A_270 = vector.extract_strided_slice %add3A_258 {offsets = [4, 0], sizes = [1, 512], strides = [1, 1]} : vector<8x512xf32> to vector<1x512xf32>
    %squeeze3A_271 = vector.shape_cast %slice3A_270 : vector<1x512xf32> to vector<512xf32>
    %add3A_272 = arith.addf %add3A_269, %squeeze3A_271 : vector<512xf32>
    %slice3A_273 = vector.extract_strided_slice %add3A_258 {offsets = [5, 0], sizes = [1, 512], strides = [1, 1]} : vector<8x512xf32> to vector<1x512xf32>
    %squeeze3A_274 = vector.shape_cast %slice3A_273 : vector<1x512xf32> to vector<512xf32>
    %add3A_275 = arith.addf %add3A_272, %squeeze3A_274 : vector<512xf32>
    %slice3A_276 = vector.extract_strided_slice %add3A_258 {offsets = [6, 0], sizes = [1, 512], strides = [1, 1]} : vector<8x512xf32> to vector<1x512xf32>
    %squeeze3A_277 = vector.shape_cast %slice3A_276 : vector<1x512xf32> to vector<512xf32>
    %add3A_278 = arith.addf %add3A_275, %squeeze3A_277 : vector<512xf32>
    %slice3A_279 = vector.extract_strided_slice %add3A_258 {offsets = [7, 0], sizes = [1, 512], strides = [1, 1]} : vector<8x512xf32> to vector<1x512xf32>
    %squeeze3A_280 = vector.shape_cast %slice3A_279 : vector<1x512xf32> to vector<512xf32>
    %add3A_281 = arith.addf %add3A_278, %squeeze3A_280 : vector<512xf32>
    %sqrt3A_282 = math.sqrt %add3A_281 : vector<512xf32>
    %slice3A_283 = vector.extract_strided_slice %sqrt3A_282 {offsets = [0], sizes = [256], strides = [1]} : vector<512xf32> to vector<256xf32>
    %slice3A_284 = vector.extract_strided_slice %sqrt3A_282 {offsets = [256], sizes = [256], strides = [1]} : vector<512xf32> to vector<256xf32>
    %lt3A_285 = arith.cmpf olt, %slice3A_284, %slice3A_283 : vector<256xf32>
    %eq3A_286 = arith.cmpf oeq, %slice3A_284, %slice3A_283 : vector<256xf32>
    %lt3A_287 = arith.cmpi slt, %reduce_min3A_183, %reduce_min3A_167 : vector<256xi32>
    %and3A_288 = arith.andi %eq3A_286, %lt3A_287 : vector<256xi1>
    %or3A_289 = arith.ori %lt3A_285, %and3A_288 : vector<256xi1>
    %select_n3A_290 = arith.select %or3A_289, %reduce_min3A_183, %reduce_min3A_167 : vector<256xi1>, vector<256xi32>
    %reduce_min3A_291 = arith.constant dense<0x7F800000> : vector<256xf32>
    %reduce_min3A_292 = vector.multi_reduction <minimumf>, %select_n3A_173, %reduce_min3A_291 [1] : vector<256x512xf32> to vector<256xf32>
    %reduce_min3A_293 = arith.constant dense<0x7F800000> : vector<256xf32>
    %reduce_min3A_294 = vector.multi_reduction <minimumf>, %sub3A_156, %reduce_min3A_293 [1] : vector<256x512xf32> to vector<256xf32>
    %sub3A_295 = arith.subf %reduce_min3A_292, %reduce_min3A_294 : vector<256xf32>
    %lt3A_296 = arith.constant 4.000000e-03 : f32
    %lt3A_297 = vector.broadcast %lt3A_296 : f32 to vector<256xf32>
    %lt3A_298 = arith.cmpf olt, %sub3A_295, %lt3A_297 : vector<256xf32>
    %select_n3A_299 = arith.select %lt3A_298, %select_n3A_290, %reduce_min3A_167 : vector<256xi1>, vector<256xi32>
    %swap3A_300 = arith.constant 1 : index
    %swap3A_301 = arith.constant 0 : index
    %swap3A_302 = vector.load %arg2[%swap3A_300, %swap3A_301] : memref<2x256xi32, #tpu.memory_space<vmem>>, vector<1x256xi32>
    %swap3A_303 = vector.shape_cast %swap3A_302 : vector<1x256xi32> to vector<256xi32>
    %swap3A_304 = vector.shape_cast %select_n3A_299 : vector<256xi32> to vector<1x256xi32>
    tpu.vector_store %arg2[%swap3A_300, %swap3A_301], %swap3A_304 {strides = array<i32>} : memref<2x256xi32, #tpu.memory_space<vmem>>, vector<1x256xi32>,
    %transpose3A = tpu.transpose %get3A_1, [1, 0] : vector<256x512xf32> -> vector<512x256xf32>
    %swap3A_305 = arith.constant 0 : index
    %swap3A_306 = arith.constant 0 : index
    %swap3A_307 = vector.load %arg3[%swap3A_305, %swap3A_306] : memref<512x256xf32, #tpu.memory_space<vmem>>, vector<512x256xf32>
    tpu.vector_store %arg3[%swap3A_305, %swap3A_306], %transpose3A {strides = array<i32>} : memref<512x256xf32, #tpu.memory_space<vmem>>, vector<512x256xf32>,
    return
  }
}

</mosaic_0001>

<sc_bundles>
// kernel: kernel.4.cloned.1.call-start
scs
__scs_entry_jumppad:
0x0: {  	(pc) =	sbr.rel $0x88, $3  }
0x1: {  	(tag) =	ssettag $0x0;
	lr =	simm.s32 $0x1  }
0x2: {  	[smem:$0x3F9F] =	sst lr;
	_ =	strace $0xD0000000  }
0x3: {  	_ = 	snop  }
0x4: {  	_ = 	snop  }
0x5: {  	_ = 	snop  }
0x6: {  	_ = 	snop  }
0x7: {  	_ = 	snop  }
__scs_overlays_trampoline_lowered:
0x8: {  	[smem:$0x3FAE] =	sst s0  }
0x9: {  	[smem:$0x3FAF] =	sst s1  }
0xa: {  	[smem:$0x3FB0] =	sst s2  }
0xb: {  	[smem:$0x3FB1] =	sst s3  }
0xc: {  	[smem:$0x3FB2] =	sst s4  }
0xd: {  	[smem:$0x3FB3] =	sst s5  }
0xe: {  	[smem:$0x3FB4] =	sst s6  }
0xf: {  	[smem:$0x3FB5] =	sst s7  }
0x10: {  	[smem:$0x3FB6] =	sst s8  }
0x11: {  	[smem:$0x3FB7] =	sst s9;
	s0 =	simm.s32 @!p0 $0x0  }
0x12: {  	s1 =	sld [smem:$0x3F9D];
	s0 =	simm.s32 @p0 $0x1  }
0x13: {  	[smem:$0x3FB8] =	sst s0;
	s0 =	simm.s32 @!p1 $0x0  }
0x14: {  	s2 =	sld [smem:$0x3F9C];
	s0 =	simm.s32 @p1 $0x1  }
0x15: {  	[smem:$0x3FB9] =	sst s0;
	s0 =	simm.s32 @!p2 $0x0  }
0x16: {  	s3 =	sld [smem:$0x3FDB];
	s0 =	simm.s32 @p2 $0x1  }
0x17: {  	s4 =	simm.s32 $0x1BF5;
	[smem:$0x3FBB] =	sst s0  }
0x18: {  	s0 =	sld [smem:$0x3F9E];
	_ =	swait.ge [sflag:s4], $0x0  }
0x19: {  	s7 =	sld [smem:$0x3F9F]  }
0x1a: {  	s8 =	sadd.s32 $0xFFFFE003, lr  }
0x1b: {  	s9 =	sadd.s32 $0xFFFFFEF7, lr;
	s5 =	simm.s32 $0xFFFFFFFF;
	p2 =	slt.u32 s8, $0xFFFFF086  }
0x1c: {  	p1 =	slt.u32 s9, $0xF7A;
	s5 =	simm.s32 @!p2 $0x0  }
0x1d: {  	s5 =	simm.s32 @p1 $0x1;
	p0 =	seq.s32 s7, s2  }
0x1e: {  	s7 =	smul.u32 @!p0 $0xF7A, s2;
	p2 =	seq.s32 @!p0 s5, $0x0  }
0x1f: {  	s9 =	smul.u32 $0xF7A, s1;
	s8 =	simm.s32 @!p0 $0x1BF5;
	p2 =	por !p2, p0  }
0x20: {  	[sflag:s8] =	ssyncset.s32 @!p0 $0xFFFFF086;
	s6 =	sadd.s32 @!p0 s3, s7;
	s7 =	simm.s32 @!p0 $0x108  }
0x21: {  	s3 =	sadd.s32 s3, s9;
	s6 =	sadd.s32 @!p0 $0x88, s6;
	s7 =	simm.s32 @p2 $0x1082  }
0x22: {  	[simem:s7], [sflag:s8] =	dma.local @!p0 [hbm:s6], $0xF7A  }
0x23: {  	s9 =	sor.u32 $0xD0000000, s2;
	s6 =	simm.s32 $0x108;
	_ =	swait.ge @!p0 [sflag:s8], $0x0  }
0x24: {  	s3 =	sadd.s32 $0x88, s3;
	s6 =	simm.s32 @!p1 $0x1082;
	[sflag:s4] =	ssyncset.s32 $0xFFFFF086  }
0x25: {  	[simem:s6], [sflag:s4] =	dma.local [hbm:s3], $0xF7A  }
0x26: {  	[smem:$0x3F9F] =	sst s1;
	(tag) =	ssettag s2;
	_ =	strace s9  }
0x27: {  	s1 =	sld [smem:$0x3FAF]  }
0x28: {  	s2 =	sld [smem:$0x3FB0]  }
0x29: {  	s4 =	sld [smem:$0x3FB2]  }
0x2a: {  	p0 =	seq.s32 s5, $0x0;
	s5 =	sld [smem:$0x3FB3]  }
0x2b: {  	s6 =	sld [smem:$0x3FB4]  }
0x2c: {  	s7 =	sld [smem:$0x3FB5]  }
0x2d: {  	s3 =	simm.s32 $0x108;
	s8 =	sld [smem:$0x3FB6]  }
0x2e: {  	s3 =	simm.s32 @!p0 $0x1082;
	s9 =	sld [smem:$0x3FB7]  }
0x2f: {  	lr =	sadd.s32 s0, s3;
	s0 =	sld [smem:$0x3FAE]  }
0x30: {  	s3 =	sld [smem:$0x3FB1]  }
0x31: {  	[smem:$0x3FBA] =	sst s10  }
0x32: {  	s10 =	sld [smem:$0x3FB8];
	_ =	sdelay $0x3  }
0x33: {  	p0 =	seq.s32 s10, $0x1;
	s10 =	sld [smem:$0x3FBA];
	_ =	sdelay $0x3  }
0x34: {  	[smem:$0x3FBA] =	sst s10  }
0x35: {  	s10 =	sld [smem:$0x3FB9];
	_ =	sdelay $0x3  }
0x36: {  	p1 =	seq.s32 s10, $0x1;
	s10 =	sld [smem:$0x3FBA];
	_ =	sdelay $0x3  }
0x37: {  	[smem:$0x3FBA] =	sst s10  }
0x38: {  	s10 =	sld [smem:$0x3FBB]  }
0x39: {  	_ = 	snop;
	(pc) =	sbr.ind lr, $3  }
0x3a: {  	_ = 	snop  }
0x3b: {  	_ = 	snop  }
0x3c: {  	p2 =	seq.s32 s10, $0x1;
	s10 =	sld [smem:$0x3FBA]  }
0x3d: {  	_ =	shalt  }
0x3e: {  	_ =	shalt  }
0x3f: {  	_ =	shalt  }
0x40: {  	_ =	shalt  }
0x41: {  	_ =	shalt  }
0x42: {  	_ =	shalt  }
0x43: {  	_ =	shalt  }
0x44: {  	_ =	shalt  }
0x45: {  	_ =	shalt  }
0x46: {  	_ =	shalt  }
0x47: {  	_ =	shalt  }
0x48: {  	_ =	shalt  }
0x49: {  	_ =	shalt  }
0x4a: {  	_ =	shalt  }
0x4b: {  	_ =	shalt  }
0x4c: {  	_ =	shalt  }
0x4d: {  	_ =	shalt  }
0x4e: {  	_ =	shalt  }
0x4f: {  	_ =	shalt  }
0x50: {  	_ =	shalt  }
0x51: {  	_ =	shalt  }
0x52: {  	_ =	shalt  }
0x53: {  	_ =	shalt  }
0x54: {  	_ =	shalt  }
0x55: {  	_ =	shalt  }
0x56: {  	_ =	shalt  }
0x57: {  	_ =	shalt  }
0x58: {  	_ =	shalt  }
0x59: {  	_ =	shalt  }
0x5a: {  	_ =	shalt  }
0x5b: {  	_ =	shalt  }
0x5c: {  	_ =	shalt  }
0x5d: {  	_ =	shalt  }
0x5e: {  	_ =	shalt  }
0x5f: {  	_ =	shalt  }
0x60: {  	_ =	shalt  }
0x61: {  	_ =	shalt  }
0x62: {  	_ =	shalt  }
0x63: {  	_ =	shalt  }
0x64: {  	_ =	shalt  }
0x65: {  	_ =	shalt  }
0x66: {  	_ =	shalt  }
0x67: {  	_ =	shalt  }
0x68: {  	_ =	shalt  }
0x69: {  	_ =	shalt  }
0x6a: {  	_ =	shalt  }
0x6b: {  	_ =	shalt  }
0x6c: {  	_ =	shalt  }
0x6d: {  	_ =	shalt  }
0x6e: {  	_ =	shalt  }
0x6f: {  	_ =	shalt  }
0x70: {  	_ =	shalt  }
0x71: {  	_ =	shalt  }
0x72: {  	_ =	shalt  }
0x73: {  	_ =	shalt  }
0x74: {  	_ =	shalt  }
0x75: {  	_ =	shalt  }
0x76: {  	_ =	shalt  }
0x77: {  	_ =	shalt  }
0x78: {  	_ =	shalt  }
0x79: {  	_ =	shalt  }
0x7a: {  	_ =	shalt  }
0x7b: {  	_ =	shalt  }
0x7c: {  	_ =	shalt  }
0x7d: {  	_ =	shalt  }
0x7e: {  	_ =	shalt  }
0x7f: {  	_ =	shalt  }
0x80: {  	_ =	shalt  }
0x81: {  	_ =	shalt  }
0x82: {  	_ =	shalt  }
0x83: {  	_ =	shalt  }
0x84: {  	_ =	shalt  }
0x85: {  	_ =	shalt  }
0x86: {  	_ =	shalt  }
0x87: {  	_ =	shalt  }
.Lfunc_end0:
.L_simem_size_0:
called_computation_lowered:
.L_overlay_start_0:
0x88: {  	s0 =	sld [smem:$0x3FD9]  }
0x89: {  	s1 =	sld [smem:$0x3FFE];
	_ =	sdelay $0x3  }
0x8a: {  	s0 =	sadd.s32 s1, s0  }
0x8b: {  	[smem:$0x3FC6] =	sst s0  }
0x8c: {  	_ = 	snop  }
0x8d: {  	s0 =	sld [smem:$0x3FD0];
	_ =	sdelay $0x2  }
0x8e: {  	s13 =	simm.s32 $0xA;
	s2 =	simm.s32 $0x10  }
0x8f: {  	[smem:s2], [sflag:s13] =	dma.local [hbm:s0], $0x1  }
0x90: {  	_ =	swait.eq [sflag:s13], $0x1  }
0x91: {  	[sflag:s13] =	ssyncset.done $0x0  }
0x92: {  	[sflag:s13] =	ssyncadd.s32 $0xFFFFFFFF  }
0x93: {  	s14 =	sld [smem:$0x10];
	(tm) =	ssettm $0x1  }
0x94: {  	s15 =	sld [smem:$0x3FFB];
	_ =	sdelay $0x3  }
0x95: {  	_ =	strace s15  }
0x96: {  	s1 =	sld [smem:$0x3FFC];
	_ =	sdelay $0x3  }
0x97: {  	_ =	strace s1  }
0x98: {  	s1 =	sld [smem:$0x3FFD];
	_ =	sdelay $0x3  }
0x99: {  	_ =	strace s1  }
0x9a: {  	_ =	strace $0x8FFFFFFF  }
0x9b: {  	s16 =	sld [smem:$0x3FDB];
	_ =	sdelay $0x1  }
0x9c: {  	s17 =	simm.s32 $_scs_section_size  }
0x9d: {  	s3 =	simm.s32 $_size__tile_overlayer_lowered;
	s4 =	simm.s32 $_tile_overlayer_lowered  }
0x9e: {  	s20 =	simm.s32 $0x1BFF;
	s19 =	sshll.u32 s4, $0x1;
	s1 =	sadd.s32 s17, s16  }
0x9f: {  	s5 =	simm.s32 $0x0;
	s18 =	sshll.u32 s3, $0x1;
	s3 =	sadd.s32 s19, s1  }
0xa0: {  	[timem:s5], [sflag:s20] =	dma.local [hbm:s3], s18  }
0xa1: {  	_ =	swait.ge [sflag:s20], s18  }
0xa2: {  	s2 =	ssub.s32 $0x0, s18;
	[sflag:s20] =	ssyncset.done $0x0  }
0xa3: {  	[sflag:s20] =	ssyncadd.s32 s2;
	_ =	sdelay $0x1  }
0xa4: {  	s21 =	simm.s32 $0x1B8B  }
0xa5: {  	_ =	swait.ge [sflag:s21], $0x1  }
0xa6: {  	[sflag:s21] =	ssyncset.done $0x0  }
0xa7: {  	s23 =	simm.s32 $0x1B8E;
	s22 =	sld [smem:$0x3FFE];
	[sflag:s21] =	ssyncadd.s32 $0xFFFFFFFF  }
0xa8: {  	s24 =	simm.s32 $execute0_lowered;
	[smem:$0x3FD2] =	sst s23  }
0xa9: {  	s3 =	sshll.u32 s24, $0x1;
	_ =	strace $0x80000046;
	[dreg:$0x1] =	wrdreg $0xFFFFFFFF  }
0xaa: {  	s25 =	simm.s32 $_size_execute0_lowered;
	s1 =	sadd.s32 s1, s3;
	[dreg:$0x0] =	wrdreg $0x0  }
0xab: {  	s3 =	sshll.u32 s25, $0x1;
	[dreg:$0x2] =	wrdreg s1  }
0xac: {  	[dreg:$0x3] =	wrdreg s3  }
0xad: {  	[dreg:$0x4] =	wrdreg $0xC0  }
0xae: {  	_ =	task [dreg:s5], $0x5FFFF  }
0xaf: {  	[dreg:$0x1] =	wrdreg $0xFFFFFFFF  }
0xb0: {  	[dreg:$0x0] =	wrdreg $0x60  }
0xb1: {  	[dreg:$0x2] =	wrdreg s22  }
0xb2: {  	[dreg:$0x3] =	wrdreg s14  }
0xb3: {  	[dreg:$0x4] =	wrdreg $0x9  }
0xb4: {  	_ =	task.clear_ibuf [dreg:s5], $0x5FFFF;
	_ =	strace $0x90000046  }
0xb5: {  	s26 =	simm.s32 $0x9;
	_ =	strace $0x80000048  }
0xb6: {  	_ =	swait.ge [sflag:s26], $0x1  }
0xb7: {  	[sflag:s26] =	ssyncadd.s32 $0xFFFFFFFF  }
0xb8: {  	_ =	strace $0x90000048  }
0xb9: {  	_ =	sfence  }
0xba: {  	s28 =	sld [smem:$0x0];
	_ =	sdelay $0x1  }
0xbb: {  	s29 =	srdreg.scid  }
0xbc: {  	s30 =	sshll.u32 s29, $0xD;
	s31 =	sshrl.u32 s29, $0x2  }
0xbd: {  	s2 =	sand.u32 $0x4000, s30;
	s1 =	sand.u32 $0x1, s29;
	s0 =	sadd.s32 s31, s28  }
0xbe: {  	s1 =	sor.u32 s2, s1;
	s0 =	sshll.u32 s0, $0x11  }
0xbf: {  	s0 =	sor.u32 s0, s1  }
0xc0: {  	s0 =	sadd.s32 $0x8F2B, s0  }
0xc1: {  	[sflag:s0] =	ssyncadd.remote.s32 $0x1  }
0xc2: {  	_ =	sfence.sel $0xFFFF  }
0xc3: {  	[dreg:$0x0] =	wrdreg $0xFFFFFFFF;
	(pc) =	sbr.abs _section_cstart, $3  }
0xc4: {  	[dreg:$0x1] =	wrdreg $0xFFFFFFFF  }
0xc5: {  	_ =	task.clear_ibuf [dreg:s5], $0x2FFFF;
	_ =	strace $0x9FFFFFFF  }
0xc6: {  	(tm) =	ssettm $0x7FFFFFFF  }
0xc7: {  	_ =	shalt  }
tec
execute0_lowered:
.L_overlay_start_1:
0x0: {  	(tag) =	ssettag $0x1  }
0x1: {  	s0 =	rddreg [dreg:$0x0]  }
0x2: {  	s1 =	rddreg [dreg:$0x1];
	s2 =	stileid.u32  }
0x3: {  	s3 =	rddreg [dreg:$0x2];
	s4 =	simm.s32 $0x0;
	s5 =	sshll.u32 s2, $0x2  }
0x4: {  	[smem:$0x7FF] =	sst s4;
	s5 =	sadd.s32 s5, s0  }
0x5: {  	s26 =	simm.s32 $0x2;
	_ =	strace $0x80000047;
	s5 =	sadd.s32 $0x4A00, s5  }
0x6: {  	[tilespmem:s4], [sflag:$0x2] =	stream.linear.gather [hbm4b:s5+s4], $0x20, $0x38;
	[tilespmem:$0x2080] =	vst v63  }
0x7: {  	_ =	swait.ge [sflag:s26], $0x20  }
0x8: {  	[sflag:s26] =	ssyncset.done $0x0  }
0x9: {  	[sflag:s26] =	ssyncadd.s32 $0xFFFFFFE0  }
0xa: {  	v0 =	vld [tilespmem:$0x0];
	_ =	sdelay $0x4  }
0xb: {  	v1 =	vshll.u32 v0, $0x1  }
0xc: {  	v2 =	vlaneseq.u32;
	v0 =	vand.u32 $0x7, v0;
	v1 =	vand.u32 $0xFFFFFFF0, v1  }
0xd: {  	v62 =	vand.u32 $0x7, v2;
	v3 =	vshrl.u32 v2, $0x3;
	v0 =	vor.u32 v0, v1  }
0xe: {  	v3 =	vmul.u32 $0x8, v3;
	v4 =	vperm.xlane v0, v62  }
0xf: {  	v2 =	vor.u32 $0x8, v2  }
0x10: {  	v0 =	vperm.xlane v0, v2;
	v4 =	vadd.s32 v3, v4;
	_ =	sdelay $0x1  }
0x11: {  	v0 =	vadd.s32 v3, v0;
	_ =	sdelay $0x1  }
0x12: {  	vm0 =	vmmov $0xffff;
	s6 =	simm.s32 $0x80;
	s0 =	sadd.s32 $0xA00, s0  }
0x13: {  	[tilespmem:s6], [sflag:$0x1] =	stream.indirect_vreg.gather [hbm4b:s0+s4], $0x80, v4, vm0, $0xb8;
	[tilespmem:$0x2080] =	vst v63  }
0x14: {  	s7 =	simm.s32 $0x880  }
0x15: {  	[tilespmem:s7], [sflag:$0x1] =	stream.indirect_vreg.gather [hbm4b:s0+s4], $0x80, v0, vm0, $0xb8;
	[tilespmem:$0x2080] =	vst v63  }
0x16: {  	v0 =	vld [tilespmem:$0x10];
	_ =	sdelay $0x4  }
0x17: {  	v63 =	vshll.u32 v0, $0x1  }
0x18: {  	v0 =	vand.u32 $0x7, v0;
	v4 =	vand.u32 $0xFFFFFFF0, v63  }
0x19: {  	v0 =	vor.u32 v0, v4  }
0x1a: {  	v1 =	vperm.xlane v0, v62;
	_ =	sdelay $0x1  }
0x1b: {  	v0 =	vperm.xlane v0, v2;
	v1 =	vadd.s32 v3, v1;
	_ =	sdelay $0x1  }
0x1c: {  	v0 =	vadd.s32 v3, v0;
	_ =	sdelay $0x1  }
0x1d: {  	s28 =	simm.s32 $0x1080  }
0x1e: {  	[tilespmem:s28], [sflag:$0x1] =	stream.indirect_vreg.gather [hbm4b:s0+s4], $0x80, v1, vm0, $0xb8;
	[tilespmem:$0x2080] =	vst v63  }
0x1f: {  	s29 =	simm.s32 $0x1880;
	s30 =	simm.s32 $0x1  }
0x20: {  	[tilespmem:s29], [sflag:$0x1] =	stream.indirect_vreg.gather [hbm4b:s0+s4], $0x80, v0, vm0, $0xb8;
	[tilespmem:$0x2080] =	vst v63  }
0x21: {  	_ =	swait.ge [sflag:s30], $0x2000  }
0x22: {  	s31 =	sshll.u32 s2, $0xA;
	[sflag:s30] =	ssyncset.done $0x0  }
0x23: {  	s1 =	sadd.s32 s1, s31;
	[sflag:s30] =	ssyncadd.s32 $0xFFFFE000  }
0x24: {  	[hbm4b:s1+s4] =	stream.linear.scatter [tilespmem:s6], [sflag:$0x2], $0x2000, $0x38;
	[tilespmem:$0x2080] =	vst v63  }
0x25: {  	_ =	swait.ge [sflag:s26], $0x2000  }
0x26: {  	[sflag:s26] =	ssyncset.done $0x0  }
0x27: {  	[sflag:s26] =	ssyncadd.s32 $0xFFFFE000  }
0x28: {  	_ =	sfence.sel $0x180000  }
0x29: {  	[bflag:$0x0] =	sbarrier.arrive $0xFFFF  }
0x2a: {  	p0 =	sne.s32 s2, $0x0;
	_ =	strace $0x90000047  }
0x2b: {  	s0 =	sadd.s32 @!p0 $0x100000, s3;
	[bflag:$0x2] =	sbarrier.arrive $0xFFFF  }
0x2c: {  	[sflag:s0] =	ssyncadd.tile.s32 @!p0 $0x1;
	_ =	shalt  }
.Lfunc_end2:
_tile_overlayer_lowered:
.L_overlay_start_2:
0x2d: {  	(tag) =	ssettag $0x2  }
0x2e: {  	s0 =	rddreg [dreg:$0x0];
	s2 =	stileid.u32  }
0x2f: {  	s1 =	rddreg [dreg:$0x1];
	p0 =	sne.s32 s2, $0x0  }
0x30: {  	s3 =	rddreg [dreg:$0x2];
	[bflag:$0x3] =	sbarrier.arrive $0xFFFF;
	s2 =	simm.s32 @!p0 $0x1C02  }
0x31: {  	[timem:s3], [sflag:s2] =	dma.local @!p0 [hbm:s0], s1  }
0x32: {  	s0 =	simm.s32 @!p0 $0x2  }
0x33: {  	_ =	swait.ge @!p0 [sflag:s0], s1  }
0x34: {  	s1 =	ssub.s32 @!p0 $0x0, s1;
	[sflag:s0] =	ssyncset.done @!p0 $0x0  }
0x35: {  	[sflag:s0] =	ssyncadd.s32 @!p0 s1  }
0x36: {  	[bflag:$0x3] =	sbarrier.arrive $0xFFFF  }
0x37: {  	_ =	shalt  }

</sc_bundles>
